<compile_context>
chip_gen: v7x
topology: tpu7x:2x2x1
jax: 0.10.2.dev20260603
libtpu: 0.0.44.dev20260713+nightly
codegen_flags: <defaults>
</compile_context>

<pallas_src>
import jax
import jax.numpy as jnp
from jax import lax
from jax.experimental import pallas as pl
from jax.experimental.pallas import tpu as pltpu
from jax.experimental.pallas import tpu_sc as plsc

N_TOK = 16384
D = 128
C0, C1, C2, C3 = 10000, 60000, 190000, 1000000
WB1 = C0
WB2 = WB1 + (C1 - C0) * 32 // 128
WB3 = WB2 + (C2 - C1) * 8 // 128
N_WIN = WB3 + ((C3 - C2) * 2 + 127) // 128
PAD = N_WIN * 128 - (C0 * 128 + (C1 - C0) * 32 + (C2 - C1) * 8 + (C3 - C2) * 2)

NW = 32
B_W = N_TOK // NW
G = 4
B_G = B_W // G

SIZES = (C0 * 128, (C1 - C0) * 32, (C2 - C1) * 8, (C3 - C2) * 2)
BASES = (0, SIZES[0], SIZES[0] + SIZES[1], SIZES[0] + SIZES[1] + SIZES[2])
FLAT_LEN = N_WIN * 128
SHARES = tuple(((s // 16 + NW - 1) // NW) * 16 for s in SIZES)


def _concat_body(t0, t1, t2, t3, flat, sem):
    wid = lax.axis_index("s") * 2 + lax.axis_index("c")
    copies = []
    for src, size, base, share in zip((t0, t1, t2, t3), SIZES, BASES, SHARES):
        off = (wid * (size // 16) // NW) * 16
        off = jnp.minimum(off, size - share)
        copies.append(pltpu.make_async_copy(
            src.at[pl.ds(off, share)], flat.at[pl.ds(base + off, share)], sem))
    for c in copies:
        c.start()
    for c in copies:
        c.wait()


@jax.jit
def _sc_concat(t0, t1, t2, t3):
    return pl.kernel(
        _concat_body,
        out_type=jax.ShapeDtypeStruct((FLAT_LEN,), jnp.float32),
        mesh=plsc.VectorSubcoreMesh(core_axis_name="c", subcore_axis_name="s"),
        compiler_params=pltpu.CompilerParams(use_tc_tiling_on_sc=False),
        scratch_types=[pltpu.SemaphoreType.DMA],
    )(t0, t1, t2, t3)


def _sc_body(inp, flat, out, idx_v, win_v, buf, sem):
    wid = lax.axis_index("s") * 2 + lax.axis_index("c")
    base = wid * B_W
    pltpu.sync_copy(inp.at[pl.ds(base, B_W)], idx_v)
    for i in range(B_W // 16):
        v = idx_v[pl.ds(i * 16, 16)]
        w = jnp.where(
            v < C0, v,
            jnp.where(
                v < C1, WB1 + lax.shift_right_logical(v - C0, 2),
                jnp.where(
                    v < C2, WB2 + lax.shift_right_logical(v - C1, 4),
                    WB3 + lax.shift_right_logical(v - C2, 6))))
        win_v[i // 8, pl.ds((i % 8) * 16, 16)] = w
    copies = [
        pltpu.make_async_copy(flat.at[win_v.at[j]],
                              buf.at[pl.ds(j * B_G, B_G)], sem)
        for j in range(G)
    ]
    for c in copies:
        c.start()
    for c in copies:
        c.wait()
    pltpu.sync_copy(buf, out.at[pl.ds(base, B_W)])


@jax.jit
def _sc_gather(inp, flat):
    return pl.kernel(
        _sc_body,
        out_type=jax.ShapeDtypeStruct((N_TOK, 128), jnp.float32),
        mesh=plsc.VectorSubcoreMesh(core_axis_name="c", subcore_axis_name="s"),
        compiler_params=pltpu.CompilerParams(use_tc_tiling_on_sc=False),
        scratch_types=[
            pltpu.VMEM((B_W,), jnp.int32),
            pltpu.VMEM((G, B_G), jnp.int32),
            pltpu.VMEM((B_W, 128), jnp.float32),
            pltpu.SemaphoreType.DMA,
        ],
    )(inp, flat)


B_M = 1024


def _mm_body(inp, gw, hw, w1d, w2d, w3d, out):
    v = inp[...]
    g = gw[...]
    lane = lax.broadcasted_iota(jnp.int32, (B_M, 128), 1)
    hm = jnp.where(v < C0, g, 0.0)
    t1m = jnp.where((v >= C0) & (v < C1) & ((lane >> 5) == ((v - C0) & 3)),
                    g, 0.0)
    t2m = jnp.where((v >= C1) & (v < C2) & ((lane >> 3) == ((v - C1) & 15)),
                    g, 0.0)
    t3m = jnp.where((v >= C2) & ((lane >> 1) == ((v - C2) & 63)), g, 0.0)
    acc = jnp.dot(hm, hw[...], preferred_element_type=jnp.float32)
    acc += jnp.dot(t1m, w1d[...], preferred_element_type=jnp.float32)
    acc += jnp.dot(t2m, w2d[...], preferred_element_type=jnp.float32)
    acc += jnp.dot(t3m, w3d[...], preferred_element_type=jnp.float32)
    out[...] = acc


@jax.jit
def _tc_project(inp2, gw, hw, w1d, w2d, w3d):
    nb = N_TOK // B_M
    blk = lambda r: pl.BlockSpec((B_M, r), lambda b: (b, 0))
    full = lambda a, b: pl.BlockSpec((a, b), lambda _: (0, 0))
    return pl.pallas_call(
        _mm_body,
        grid=(nb,),
        in_specs=[blk(1), blk(128),
                  full(128, 128), full(128, 128), full(128, 128),
                  full(128, 128)],
        out_specs=blk(128),
        out_shape=jax.ShapeDtypeStruct((N_TOK, D), jnp.float32),
    )(inp2, gw, hw, w1d, w2d, w3d)


def kernel(input, head_emb, head_W, emb1, W1, emb2, W2, emb3, W3):
    flat = _sc_concat(head_emb.reshape(-1), emb1.reshape(-1),
                      emb2.reshape(-1), emb3.reshape(-1))
    gw = _sc_gather(input, flat.reshape(N_WIN, 128))
    w1d = jnp.tile(W1, (4, 1))
    w2d = jnp.tile(W2, (16, 1))
    w3d = jnp.tile(W3, (64, 1))
    return _tc_project(input.reshape(N_TOK, 1), gw,
                       head_W, w1d, w2d, w3d)

# --- scband reference (transcript-rebuilt; emitter-appended) ---
"""Pipeline reference for scband-adaptive-input-120259084974 (READ-ONLY COPY).

The authoritative reference and input builder live on the scoring server;
editing this copy changes nothing except your own understanding.
"""

import jax, jax.numpy as jnp
import numpy as np

N = 16384
IN_FEATURES = 128
N_CLASSES = 1000000
CUTOFFS = [0, 10000, 60000, 190000, 1000000]

def setup_inputs(seed: int = 0) -> dict:
    key = jax.random.key(seed)
    ks = jax.random.split(key, 9)
    inp = {}
    inp["input"] = jax.random.randint(ks[0], (N,), 0, N_CLASSES, dtype=jnp.int32)
    # head: Embedding(10000, 128) + Linear(128, 128, bias=False)
    inp["head_emb"] = jax.random.normal(ks[1], (10000, IN_FEATURES), dtype=jnp.float32) * 0.02
    inp["head_W"] = jax.random.normal(ks[2], (IN_FEATURES, IN_FEATURES), dtype=jnp.float32) / np.sqrt(IN_FEATURES)
    # tail cluster 0: hsz = 128 // 4 = 32, osz = 60000 - 10000 = 50000
    inp["emb1"] = jax.random.normal(ks[3], (50000, 32), dtype=jnp.float32) * 0.02
    inp["W1"] = jax.random.normal(ks[4], (32, IN_FEATURES), dtype=jnp.float32) / np.sqrt(32)
    # tail cluster 1: hsz = 128 // 16 = 8, osz = 190000 - 60000 = 130000
    inp["emb2"] = jax.random.normal(ks[5], (130000, 8), dtype=jnp.float32) * 0.02
    inp["W2"] = jax.random.normal(ks[6], (8, IN_FEATURES), dtype=jnp.float32) / np.sqrt(8)
    # tail cluster 2: hsz = 128 // 64 = 2, osz = 1000000 - 190000 = 810000
    inp["emb3"] = jax.random.normal(ks[7], (810000, 2), dtype=jnp.float32) * 0.02
    inp["W3"] = jax.random.normal(ks[8], (2, IN_FEATURES), dtype=jnp.float32) / np.sqrt(2)
    return inp


def reference(input, head_emb, head_W, emb1, W1, emb2, W2, emb3, W3):
    # Faithful translation of AdaptiveInput.forward: each token's embedding comes
    # from the cluster its index falls into, projected up to in_features.
    tables = [(head_emb, head_W), (emb1, W1), (emb2, W2), (emb3, W3)]
    output = jnp.zeros(input.shape + (IN_FEATURES,), dtype=jnp.float32)
    for i in range(4):
        low, high = CUTOFFS[i], CUTOFFS[i + 1]
        mask = (input >= low) & (input < high)
        # clip keeps gathers in-range for out-of-cluster rows; they are masked out below
        idx = jnp.clip(input - low, 0, high - low - 1)
        emb, W = tables[i]
        out_i = jnp.take(emb, idx, axis=0) @ W
        output = jnp.where(mask[:, None], out_i, output)
    return output

if __name__ == "__main__":
    import jax
    _d = setup_inputs()
    print(jax.jit(kernel)(*tuple(_d.values())))

</pallas_src>

<mosaic_0001>
#map = affine_map<(d0, d1) -> (0)>
module attributes {stable_mosaic.version = 14 : i64} {
  func.func @_concat_body(%arg0: i32, %arg1: i32, %arg2: memref<1280000xf32, #tpu.memory_space<hbm>>, %arg3: memref<1600000xf32, #tpu.memory_space<hbm>>, %arg4: memref<1040000xf32, #tpu.memory_space<hbm>>, %arg5: memref<1620000xf32, #tpu.memory_space<hbm>>, %arg6: memref<5540096xf32, #tpu.memory_space<hbm>>, %arg7: memref<!tpu.dma_semaphore, #tpu.memory_space<semaphore_mem>>) attributes {dimension_semantics = [#tpu.dimension_semantics<core_parallel>, #tpu.dimension_semantics<subcore_parallel>], iteration_bounds = array<i64: 2, 16>, scalar_prefetch = 0 : i64, scratch_operands = 1 : i64, tpu.core_type = #tpu.core_type<sc_vector_subcore>, window_params = [{transform_indices = #map}, {transform_indices = #map}, {transform_indices = #map}, {transform_indices = #map}, {transform_indices = #map}]} {
    %mul3A = arith.constant 2 : i32
    %mul3A_0 = arith.muli %arg1, %mul3A : i32
    %add3A = arith.addi %mul3A_0, %arg0 : i32
    %mul3A_1 = arith.constant 80000 : i32
    %mul3A_2 = arith.muli %add3A, %mul3A_1 : i32
    %jit3A = arith.constant 32 : i32
    %div3A = arith.divsi %mul3A_2, %jit3A : i32
    %sign3A = arith.constant 0 : i32
    %sign3A_3 = arith.cmpi sgt, %mul3A_2, %sign3A : i32
    %sign3A_4 = arith.extui %sign3A_3 : i1 to i32
    %sign3A_5 = arith.constant 0 : i32
    %sign3A_6 = arith.cmpi slt, %mul3A_2, %sign3A_5 : i32
    %sign3A_7 = arith.extui %sign3A_6 : i1 to i32
    %sign3A_8 = arith.subi %sign3A_4, %sign3A_7 : i32
    %sign3A_9 = arith.constant 0 : i32
    %sign3A_10 = arith.cmpi sgt, %jit3A, %sign3A_9 : i32
    %sign3A_11 = arith.extui %sign3A_10 : i1 to i32
    %sign3A_12 = arith.constant 0 : i32
    %sign3A_13 = arith.cmpi slt, %jit3A, %sign3A_12 : i32
    %sign3A_14 = arith.extui %sign3A_13 : i1 to i32
    %sign3A_15 = arith.subi %sign3A_11, %sign3A_14 : i32
    %ne3A = arith.cmpi ne, %sign3A_8, %sign3A_15 : i32
    %rem3A = arith.remsi %mul3A_2, %jit3A : i32
    %ne3A_16 = arith.constant 0 : i32
    %ne3A_17 = arith.cmpi ne, %rem3A, %ne3A_16 : i32
    %and3A = arith.andi %ne3A, %ne3A_17 : i1
    %sub3A = arith.constant 1 : i32
    %sub3A_18 = arith.subi %div3A, %sub3A : i32
    %select_n3A = arith.select %and3A, %sub3A_18, %div3A : i32
    %mul3A_19 = arith.constant 16 : i32
    %mul3A_20 = arith.muli %select_n3A, %mul3A_19 : i32
    %min3A = arith.constant 1240000 : i32
    %min3A_21 = arith.minsi %mul3A_20, %min3A : i32
    %add3A_22 = arith.constant 0 : i32
    %add3A_23 = arith.addi %add3A_22, %min3A_21 : i32
    %mul3A_24 = arith.constant 100000 : i32
    %mul3A_25 = arith.muli %add3A, %mul3A_24 : i32
    %jit3A_26 = arith.constant 32 : i32
    %div3A_27 = arith.divsi %mul3A_25, %jit3A_26 : i32
    %sign3A_28 = arith.constant 0 : i32
    %sign3A_29 = arith.cmpi sgt, %mul3A_25, %sign3A_28 : i32
    %sign3A_30 = arith.extui %sign3A_29 : i1 to i32
    %sign3A_31 = arith.constant 0 : i32
    %sign3A_32 = arith.cmpi slt, %mul3A_25, %sign3A_31 : i32
    %sign3A_33 = arith.extui %sign3A_32 : i1 to i32
    %sign3A_34 = arith.subi %sign3A_30, %sign3A_33 : i32
    %sign3A_35 = arith.constant 0 : i32
    %sign3A_36 = arith.cmpi sgt, %jit3A_26, %sign3A_35 : i32
    %sign3A_37 = arith.extui %sign3A_36 : i1 to i32
    %sign3A_38 = arith.constant 0 : i32
    %sign3A_39 = arith.cmpi slt, %jit3A_26, %sign3A_38 : i32
    %sign3A_40 = arith.extui %sign3A_39 : i1 to i32
    %sign3A_41 = arith.subi %sign3A_37, %sign3A_40 : i32
    %ne3A_42 = arith.cmpi ne, %sign3A_34, %sign3A_41 : i32
    %rem3A_43 = arith.remsi %mul3A_25, %jit3A_26 : i32
    %ne3A_44 = arith.constant 0 : i32
    %ne3A_45 = arith.cmpi ne, %rem3A_43, %ne3A_44 : i32
    %and3A_46 = arith.andi %ne3A_42, %ne3A_45 : i1
    %sub3A_47 = arith.constant 1 : i32
    %sub3A_48 = arith.subi %div3A_27, %sub3A_47 : i32
    %select_n3A_49 = arith.select %and3A_46, %sub3A_48, %div3A_27 : i32
    %mul3A_50 = arith.constant 16 : i32
    %mul3A_51 = arith.muli %select_n3A_49, %mul3A_50 : i32
    %min3A_52 = arith.constant 1550000 : i32
    %min3A_53 = arith.minsi %mul3A_51, %min3A_52 : i32
    %add3A_54 = arith.constant 1280000 : i32
    %add3A_55 = arith.addi %add3A_54, %min3A_53 : i32
    %mul3A_56 = arith.constant 65000 : i32
    %mul3A_57 = arith.muli %add3A, %mul3A_56 : i32
    %jit3A_58 = arith.constant 32 : i32
    %div3A_59 = arith.divsi %mul3A_57, %jit3A_58 : i32
    %sign3A_60 = arith.constant 0 : i32
    %sign3A_61 = arith.cmpi sgt, %mul3A_57, %sign3A_60 : i32
    %sign3A_62 = arith.extui %sign3A_61 : i1 to i32
    %sign3A_63 = arith.constant 0 : i32
    %sign3A_64 = arith.cmpi slt, %mul3A_57, %sign3A_63 : i32
    %sign3A_65 = arith.extui %sign3A_64 : i1 to i32
    %sign3A_66 = arith.subi %sign3A_62, %sign3A_65 : i32
    %sign3A_67 = arith.constant 0 : i32
    %sign3A_68 = arith.cmpi sgt, %jit3A_58, %sign3A_67 : i32
    %sign3A_69 = arith.extui %sign3A_68 : i1 to i32
    %sign3A_70 = arith.constant 0 : i32
    %sign3A_71 = arith.cmpi slt, %jit3A_58, %sign3A_70 : i32
    %sign3A_72 = arith.extui %sign3A_71 : i1 to i32
    %sign3A_73 = arith.subi %sign3A_69, %sign3A_72 : i32
    %ne3A_74 = arith.cmpi ne, %sign3A_66, %sign3A_73 : i32
    %rem3A_75 = arith.remsi %mul3A_57, %jit3A_58 : i32
    %ne3A_76 = arith.constant 0 : i32
    %ne3A_77 = arith.cmpi ne, %rem3A_75, %ne3A_76 : i32
    %and3A_78 = arith.andi %ne3A_74, %ne3A_77 : i1
    %sub3A_79 = arith.constant 1 : i32
    %sub3A_80 = arith.subi %div3A_59, %sub3A_79 : i32
    %select_n3A_81 = arith.select %and3A_78, %sub3A_80, %div3A_59 : i32
    %mul3A_82 = arith.constant 16 : i32
    %mul3A_83 = arith.muli %select_n3A_81, %mul3A_82 : i32
    %min3A_84 = arith.constant 1007488 : i32
    %min3A_85 = arith.minsi %mul3A_83, %min3A_84 : i32
    %add3A_86 = arith.constant 2880000 : i32
    %add3A_87 = arith.addi %add3A_86, %min3A_85 : i32
    %mul3A_88 = arith.constant 101250 : i32
    %mul3A_89 = arith.muli %add3A, %mul3A_88 : i32
    %jit3A_90 = arith.constant 32 : i32
    %div3A_91 = arith.divsi %mul3A_89, %jit3A_90 : i32
    %sign3A_92 = arith.constant 0 : i32
    %sign3A_93 = arith.cmpi sgt, %mul3A_89, %sign3A_92 : i32
    %sign3A_94 = arith.extui %sign3A_93 : i1 to i32
    %sign3A_95 = arith.constant 0 : i32
    %sign3A_96 = arith.cmpi slt, %mul3A_89, %sign3A_95 : i32
    %sign3A_97 = arith.extui %sign3A_96 : i1 to i32
    %sign3A_98 = arith.subi %sign3A_94, %sign3A_97 : i32
    %sign3A_99 = arith.constant 0 : i32
    %sign3A_100 = arith.cmpi sgt, %jit3A_90, %sign3A_99 : i32
    %sign3A_101 = arith.extui %sign3A_100 : i1 to i32
    %sign3A_102 = arith.constant 0 : i32
    %sign3A_103 = arith.cmpi slt, %jit3A_90, %sign3A_102 : i32
    %sign3A_104 = arith.extui %sign3A_103 : i1 to i32
    %sign3A_105 = arith.subi %sign3A_101, %sign3A_104 : i32
    %ne3A_106 = arith.cmpi ne, %sign3A_98, %sign3A_105 : i32
    %rem3A_107 = arith.remsi %mul3A_89, %jit3A_90 : i32
    %ne3A_108 = arith.constant 0 : i32
    %ne3A_109 = arith.cmpi ne, %rem3A_107, %ne3A_108 : i32
    %and3A_110 = arith.andi %ne3A_106, %ne3A_109 : i1
    %sub3A_111 = arith.constant 1 : i32
    %sub3A_112 = arith.subi %div3A_91, %sub3A_111 : i32
    %select_n3A_113 = arith.select %and3A_110, %sub3A_112, %div3A_91 : i32
    %mul3A_114 = arith.constant 16 : i32
    %mul3A_115 = arith.muli %select_n3A_113, %mul3A_114 : i32
    %min3A_116 = arith.constant 1569360 : i32
    %min3A_117 = arith.minsi %mul3A_115, %min3A_116 : i32
    %add3A_118 = arith.constant 3920000 : i32
    %add3A_119 = arith.addi %add3A_118, %min3A_117 : i32
    %dma_start3A = tpu.memref_slice %arg6[%add3A_23] : memref<5540096xf32, #tpu.memory_space<hbm>> -> memref<40000xf32, #tpu.memory_space<hbm>>
    %dma_start3A_120 = tpu.memref_slice %arg2[%min3A_21] : memref<1280000xf32, #tpu.memory_space<hbm>> -> memref<40000xf32, #tpu.memory_space<hbm>>
    tpu.enqueue_dma source(%dma_start3A_120 : memref<40000xf32, #tpu.memory_space<hbm>>) target(%dma_start3A : memref<40000xf32, #tpu.memory_space<hbm>>) target_semaphore(%arg7 : memref<!tpu.dma_semaphore, #tpu.memory_space<semaphore_mem>>)
    %dma_start3A_121 = tpu.memref_slice %arg6[%add3A_55] : memref<5540096xf32, #tpu.memory_space<hbm>> -> memref<50000xf32, #tpu.memory_space<hbm>>
    %dma_start3A_122 = tpu.memref_slice %arg3[%min3A_53] : memref<1600000xf32, #tpu.memory_space<hbm>> -> memref<50000xf32, #tpu.memory_space<hbm>>
    tpu.enqueue_dma source(%dma_start3A_122 : memref<50000xf32, #tpu.memory_space<hbm>>) target(%dma_start3A_121 : memref<50000xf32, #tpu.memory_space<hbm>>) target_semaphore(%arg7 : memref<!tpu.dma_semaphore, #tpu.memory_space<semaphore_mem>>)
    %dma_start3A_123 = tpu.memref_slice %arg6[%add3A_87] : memref<5540096xf32, #tpu.memory_space<hbm>> -> memref<32512xf32, #tpu.memory_space<hbm>>
    %dma_start3A_124 = tpu.memref_slice %arg4[%min3A_85] : memref<1040000xf32, #tpu.memory_space<hbm>> -> memref<32512xf32, #tpu.memory_space<hbm>>
    tpu.enqueue_dma source(%dma_start3A_124 : memref<32512xf32, #tpu.memory_space<hbm>>) target(%dma_start3A_123 : memref<32512xf32, #tpu.memory_space<hbm>>) target_semaphore(%arg7 : memref<!tpu.dma_semaphore, #tpu.memory_space<semaphore_mem>>)
    %dma_start3A_125 = tpu.memref_slice %arg6[%add3A_119] : memref<5540096xf32, #tpu.memory_space<hbm>> -> memref<50640xf32, #tpu.memory_space<hbm>>
    %dma_start3A_126 = tpu.memref_slice %arg5[%min3A_117] : memref<1620000xf32, #tpu.memory_space<hbm>> -> memref<50640xf32, #tpu.memory_space<hbm>>
    tpu.enqueue_dma source(%dma_start3A_126 : memref<50640xf32, #tpu.memory_space<hbm>>) target(%dma_start3A_125 : memref<50640xf32, #tpu.memory_space<hbm>>) target_semaphore(%arg7 : memref<!tpu.dma_semaphore, #tpu.memory_space<semaphore_mem>>)
    %dma_wait3A = tpu.memref_slice %arg6[%add3A_23] : memref<5540096xf32, #tpu.memory_space<hbm>> -> memref<40000xf32, #tpu.memory_space<hbm>>
    %dma_wait3A_127 = tpu.memref_slice %arg2[%min3A_21] : memref<1280000xf32, #tpu.memory_space<hbm>> -> memref<40000xf32, #tpu.memory_space<hbm>>
    tpu.wait_dma2 semaphore(%arg7 : memref<!tpu.dma_semaphore, #tpu.memory_space<semaphore_mem>>) src(%dma_wait3A_127 : memref<40000xf32, #tpu.memory_space<hbm>>) dst(%dma_wait3A : memref<40000xf32, #tpu.memory_space<hbm>>)
    %dma_wait3A_128 = tpu.memref_slice %arg6[%add3A_55] : memref<5540096xf32, #tpu.memory_space<hbm>> -> memref<50000xf32, #tpu.memory_space<hbm>>
    %dma_wait3A_129 = tpu.memref_slice %arg3[%min3A_53] : memref<1600000xf32, #tpu.memory_space<hbm>> -> memref<50000xf32, #tpu.memory_space<hbm>>
    tpu.wait_dma2 semaphore(%arg7 : memref<!tpu.dma_semaphore, #tpu.memory_space<semaphore_mem>>) src(%dma_wait3A_129 : memref<50000xf32, #tpu.memory_space<hbm>>) dst(%dma_wait3A_128 : memref<50000xf32, #tpu.memory_space<hbm>>)
    %dma_wait3A_130 = tpu.memref_slice %arg6[%add3A_87] : memref<5540096xf32, #tpu.memory_space<hbm>> -> memref<32512xf32, #tpu.memory_space<hbm>>
    %dma_wait3A_131 = tpu.memref_slice %arg4[%min3A_85] : memref<1040000xf32, #tpu.memory_space<hbm>> -> memref<32512xf32, #tpu.memory_space<hbm>>
    tpu.wait_dma2 semaphore(%arg7 : memref<!tpu.dma_semaphore, #tpu.memory_space<semaphore_mem>>) src(%dma_wait3A_131 : memref<32512xf32, #tpu.memory_space<hbm>>) dst(%dma_wait3A_130 : memref<32512xf32, #tpu.memory_space<hbm>>)
    %dma_wait3A_132 = tpu.memref_slice %arg6[%add3A_119] : memref<5540096xf32, #tpu.memory_space<hbm>> -> memref<50640xf32, #tpu.memory_space<hbm>>
    %dma_wait3A_133 = tpu.memref_slice %arg5[%min3A_117] : memref<1620000xf32, #tpu.memory_space<hbm>> -> memref<50640xf32, #tpu.memory_space<hbm>>
    tpu.wait_dma2 semaphore(%arg7 : memref<!tpu.dma_semaphore, #tpu.memory_space<semaphore_mem>>) src(%dma_wait3A_133 : memref<50640xf32, #tpu.memory_space<hbm>>) dst(%dma_wait3A_132 : memref<50640xf32, #tpu.memory_space<hbm>>)
    return
  }
}

</mosaic_0001>

<sc_bundles>
// kernel: _sc_concat.3.cloned.1.call-start
scs
__scs_entry_jumppad:
0x0: {  	(pc) =	sbr.rel $0x88, $3  }
0x1: {  	(tag) =	ssettag $0x0;
	lr =	simm.s32 $0x1  }
0x2: {  	[smem:$0x3F9D] =	sst lr;
	_ =	strace $0xD0000000  }
0x3: {  	_ = 	snop  }
0x4: {  	_ = 	snop  }
0x5: {  	_ = 	snop  }
0x6: {  	_ = 	snop  }
0x7: {  	_ = 	snop  }
__scs_overlays_trampoline_lowered:
0x8: {  	[smem:$0x3FAC] =	sst s0  }
0x9: {  	[smem:$0x3FAD] =	sst s1  }
0xa: {  	[smem:$0x3FAE] =	sst s2  }
0xb: {  	[smem:$0x3FAF] =	sst s3  }
0xc: {  	[smem:$0x3FB0] =	sst s4  }
0xd: {  	[smem:$0x3FB1] =	sst s5  }
0xe: {  	[smem:$0x3FB2] =	sst s6  }
0xf: {  	[smem:$0x3FB3] =	sst s7  }
0x10: {  	[smem:$0x3FB4] =	sst s8  }
0x11: {  	[smem:$0x3FB5] =	sst s9;
	s0 =	simm.s32 @!p0 $0x0  }
0x12: {  	s1 =	sld [smem:$0x3F9B];
	s0 =	simm.s32 @p0 $0x1  }
0x13: {  	[smem:$0x3FB6] =	sst s0;
	s0 =	simm.s32 @!p1 $0x0  }
0x14: {  	s2 =	sld [smem:$0x3F9A];
	s0 =	simm.s32 @p1 $0x1  }
0x15: {  	[smem:$0x3FB7] =	sst s0;
	s0 =	simm.s32 @!p2 $0x0  }
0x16: {  	s3 =	sld [smem:$0x3FDB];
	s0 =	simm.s32 @p2 $0x1  }
0x17: {  	s4 =	simm.s32 $0x1BF5;
	[smem:$0x3FB9] =	sst s0  }
0x18: {  	s0 =	sld [smem:$0x3F9C];
	_ =	swait.ge [sflag:s4], $0x0  }
0x19: {  	s7 =	sld [smem:$0x3F9D]  }
0x1a: {  	s8 =	sadd.s32 $0xFFFFE003, lr  }
0x1b: {  	s9 =	sadd.s32 $0xFFFFFEF7, lr;
	s5 =	simm.s32 $0xFFFFFFFF;
	p2 =	slt.u32 s8, $0xFFFFF086  }
0x1c: {  	p1 =	slt.u32 s9, $0xF7A;
	s5 =	simm.s32 @!p2 $0x0  }
0x1d: {  	s5 =	simm.s32 @p1 $0x1;
	p0 =	seq.s32 s7, s2  }
0x1e: {  	s7 =	smul.u32 @!p0 $0xF7A, s2;
	p2 =	seq.s32 @!p0 s5, $0x0  }
0x1f: {  	s9 =	smul.u32 $0xF7A, s1;
	s8 =	simm.s32 @!p0 $0x1BF5;
	p2 =	por !p2, p0  }
0x20: {  	[sflag:s8] =	ssyncset.s32 @!p0 $0xFFFFF086;
	s6 =	sadd.s32 @!p0 s3, s7;
	s7 =	simm.s32 @!p0 $0x108  }
0x21: {  	s3 =	sadd.s32 s3, s9;
	s6 =	sadd.s32 @!p0 $0x88, s6;
	s7 =	simm.s32 @p2 $0x1082  }
0x22: {  	[simem:s7], [sflag:s8] =	dma.local @!p0 [hbm:s6], $0xF7A  }
0x23: {  	s9 =	sor.u32 $0xD0000000, s2;
	s6 =	simm.s32 $0x108;
	_ =	swait.ge @!p0 [sflag:s8], $0x0  }
0x24: {  	s3 =	sadd.s32 $0x88, s3;
	s6 =	simm.s32 @!p1 $0x1082;
	[sflag:s4] =	ssyncset.s32 $0xFFFFF086  }
0x25: {  	[simem:s6], [sflag:s4] =	dma.local [hbm:s3], $0xF7A  }
0x26: {  	[smem:$0x3F9D] =	sst s1;
	(tag) =	ssettag s2;
	_ =	strace s9  }
0x27: {  	s1 =	sld [smem:$0x3FAD]  }
0x28: {  	s2 =	sld [smem:$0x3FAE]  }
0x29: {  	s4 =	sld [smem:$0x3FB0]  }
0x2a: {  	p0 =	seq.s32 s5, $0x0;
	s5 =	sld [smem:$0x3FB1]  }
0x2b: {  	s6 =	sld [smem:$0x3FB2]  }
0x2c: {  	s7 =	sld [smem:$0x3FB3]  }
0x2d: {  	s3 =	simm.s32 $0x108;
	s8 =	sld [smem:$0x3FB4]  }
0x2e: {  	s3 =	simm.s32 @!p0 $0x1082;
	s9 =	sld [smem:$0x3FB5]  }
0x2f: {  	lr =	sadd.s32 s0, s3;
	s0 =	sld [smem:$0x3FAC]  }
0x30: {  	s3 =	sld [smem:$0x3FAF]  }
0x31: {  	[smem:$0x3FB8] =	sst s10  }
0x32: {  	s10 =	sld [smem:$0x3FB6];
	_ =	sdelay $0x3  }
0x33: {  	p0 =	seq.s32 s10, $0x1;
	s10 =	sld [smem:$0x3FB8];
	_ =	sdelay $0x3  }
0x34: {  	[smem:$0x3FB8] =	sst s10  }
0x35: {  	s10 =	sld [smem:$0x3FB7];
	_ =	sdelay $0x3  }
0x36: {  	p1 =	seq.s32 s10, $0x1;
	s10 =	sld [smem:$0x3FB8];
	_ =	sdelay $0x3  }
0x37: {  	[smem:$0x3FB8] =	sst s10  }
0x38: {  	s10 =	sld [smem:$0x3FB9]  }
0x39: {  	_ = 	snop;
	(pc) =	sbr.ind lr, $3  }
0x3a: {  	_ = 	snop  }
0x3b: {  	_ = 	snop  }
0x3c: {  	p2 =	seq.s32 s10, $0x1;
	s10 =	sld [smem:$0x3FB8]  }
0x3d: {  	_ =	shalt  }
0x3e: {  	_ =	shalt  }
0x3f: {  	_ =	shalt  }
0x40: {  	_ =	shalt  }
0x41: {  	_ =	shalt  }
0x42: {  	_ =	shalt  }
0x43: {  	_ =	shalt  }
0x44: {  	_ =	shalt  }
0x45: {  	_ =	shalt  }
0x46: {  	_ =	shalt  }
0x47: {  	_ =	shalt  }
0x48: {  	_ =	shalt  }
0x49: {  	_ =	shalt  }
0x4a: {  	_ =	shalt  }
0x4b: {  	_ =	shalt  }
0x4c: {  	_ =	shalt  }
0x4d: {  	_ =	shalt  }
0x4e: {  	_ =	shalt  }
0x4f: {  	_ =	shalt  }
0x50: {  	_ =	shalt  }
0x51: {  	_ =	shalt  }
0x52: {  	_ =	shalt  }
0x53: {  	_ =	shalt  }
0x54: {  	_ =	shalt  }
0x55: {  	_ =	shalt  }
0x56: {  	_ =	shalt  }
0x57: {  	_ =	shalt  }
0x58: {  	_ =	shalt  }
0x59: {  	_ =	shalt  }
0x5a: {  	_ =	shalt  }
0x5b: {  	_ =	shalt  }
0x5c: {  	_ =	shalt  }
0x5d: {  	_ =	shalt  }
0x5e: {  	_ =	shalt  }
0x5f: {  	_ =	shalt  }
0x60: {  	_ =	shalt  }
0x61: {  	_ =	shalt  }
0x62: {  	_ =	shalt  }
0x63: {  	_ =	shalt  }
0x64: {  	_ =	shalt  }
0x65: {  	_ =	shalt  }
0x66: {  	_ =	shalt  }
0x67: {  	_ =	shalt  }
0x68: {  	_ =	shalt  }
0x69: {  	_ =	shalt  }
0x6a: {  	_ =	shalt  }
0x6b: {  	_ =	shalt  }
0x6c: {  	_ =	shalt  }
0x6d: {  	_ =	shalt  }
0x6e: {  	_ =	shalt  }
0x6f: {  	_ =	shalt  }
0x70: {  	_ =	shalt  }
0x71: {  	_ =	shalt  }
0x72: {  	_ =	shalt  }
0x73: {  	_ =	shalt  }
0x74: {  	_ =	shalt  }
0x75: {  	_ =	shalt  }
0x76: {  	_ =	shalt  }
0x77: {  	_ =	shalt  }
0x78: {  	_ =	shalt  }
0x79: {  	_ =	shalt  }
0x7a: {  	_ =	shalt  }
0x7b: {  	_ =	shalt  }
0x7c: {  	_ =	shalt  }
0x7d: {  	_ =	shalt  }
0x7e: {  	_ =	shalt  }
0x7f: {  	_ =	shalt  }
0x80: {  	_ =	shalt  }
0x81: {  	_ =	shalt  }
0x82: {  	_ =	shalt  }
0x83: {  	_ =	shalt  }
0x84: {  	_ =	shalt  }
0x85: {  	_ =	shalt  }
0x86: {  	_ =	shalt  }
0x87: {  	_ =	shalt  }
.Lfunc_end0:
.L_simem_size_0:
called_computation_lowered:
.L_overlay_start_0:
0x88: {  	s2 =	sld [smem:$0x3FD9]  }
0x89: {  	s3 =	sld [smem:$0x3FFE];
	_ =	sdelay $0x1  }
0x8a: {  	s1 =	srdreg.scid  }
0x8b: {  	s0 =	sand.u32 $0x1, s1  }
0x8c: {  	s18 =	sshll.u32 s0, $0xA;
	s2 =	sadd.s32 s3, s2  }
0x8d: {  	s2 =	sadd.s32 s2, s18  }
0x8e: {  	[smem:$0x3FC4] =	sst s2  }
0x8f: {  	_ = 	snop  }
0x90: {  	s2 =	sld [smem:$0x3FC9]  }
0x91: {  	s19 =	sld [smem:$0x3FC8]  }
0x92: {  	s4 =	sld [smem:$0x3FC7]  }
0x93: {  	s5 =	sld [smem:$0x3FC6]  }
0x94: {  	s6 =	sld [smem:$0x3FD0];
	(tm) =	ssettm $0x1  }
0x95: {  	s7 =	sld [smem:$0x3FFB];
	_ =	sdelay $0x3  }
0x96: {  	_ =	strace s7  }
0x97: {  	s7 =	sld [smem:$0x3FFC];
	_ =	sdelay $0x3  }
0x98: {  	_ =	strace s7  }
0x99: {  	s7 =	sld [smem:$0x3FFD];
	_ =	sdelay $0x3  }
0x9a: {  	_ =	strace s7  }
0x9b: {  	_ =	strace $0x8FFFFFFF  }
0x9c: {  	s20 =	sld [smem:$0x3FDB];
	_ =	sdelay $0x1  }
0x9d: {  	s8 =	simm.s32 $_scs_section_size  }
0x9e: {  	s9 =	simm.s32 $_size__tile_overlayer_lowered;
	s10 =	simm.s32 $_tile_overlayer_lowered  }
0x9f: {  	s23 =	simm.s32 $0x1BFF;
	s22 =	sshll.u32 s10, $0x1;
	s7 =	sadd.s32 s8, s20  }
0xa0: {  	s11 =	simm.s32 $0x0;
	s21 =	sshll.u32 s9, $0x1;
	s9 =	sadd.s32 s22, s7  }
0xa1: {  	[timem:s11], [sflag:s23] =	dma.local [hbm:s9], s21  }
0xa2: {  	_ =	swait.ge [sflag:s23], s21  }
0xa3: {  	s8 =	ssub.s32 $0x0, s21;
	[sflag:s23] =	ssyncset.done $0x0  }
0xa4: {  	[sflag:s23] =	ssyncadd.s32 s8;
	_ =	sdelay $0x1  }
0xa5: {  	s24 =	simm.s32 $0x1B8B  }
0xa6: {  	_ =	swait.ge [sflag:s24], $0x1  }
0xa7: {  	[sflag:s24] =	ssyncset.done $0x0  }
0xa8: {  	s25 =	simm.s32 $0x1B8E;
	[sflag:s24] =	ssyncadd.s32 $0xFFFFFFFF  }
0xa9: {  	s26 =	simm.s32 $execute0_lowered;
	[smem:$0x3FD2] =	sst s25  }
0xaa: {  	s8 =	sshll.u32 s26, $0x1;
	_ =	strace $0x80000046;
	[dreg:$0x1] =	wrdreg $0xFFFFFFFF  }
0xab: {  	s28 =	simm.s32 $_size_execute0_lowered;
	s7 =	sadd.s32 s7, s8;
	[dreg:$0x0] =	wrdreg $0x0  }
0xac: {  	s8 =	sshll.u32 s28, $0x1;
	[dreg:$0x2] =	wrdreg s7  }
0xad: {  	[dreg:$0x3] =	wrdreg s8  }
0xae: {  	[dreg:$0x4] =	wrdreg $0xC0  }
0xaf: {  	_ =	task [dreg:s11], $0x5FFFF  }
0xb0: {  	[dreg:$0x1] =	wrdreg $0xFFFFFFFF  }
0xb1: {  	[dreg:$0x0] =	wrdreg $0x60  }
0xb2: {  	[dreg:$0x2] =	wrdreg s2  }
0xb3: {  	[dreg:$0x3] =	wrdreg s19  }
0xb4: {  	[dreg:$0x4] =	wrdreg s4  }
0xb5: {  	[dreg:$0x5] =	wrdreg s5  }
0xb6: {  	[dreg:$0x6] =	wrdreg s6  }
0xb7: {  	[dreg:$0x7] =	wrdreg $0x9  }
0xb8: {  	_ =	task.clear_ibuf [dreg:s11], $0x8FFFF;
	_ =	strace $0x90000046  }
0xb9: {  	s29 =	simm.s32 $0x9;
	_ =	strace $0x80000048  }
0xba: {  	_ =	swait.ge [sflag:s29], $0x1  }
0xbb: {  	[sflag:s29] =	ssyncadd.s32 $0xFFFFFFFF  }
0xbc: {  	_ =	strace $0x90000048  }
0xbd: {  	_ =	sfence  }
0xbe: {  	s30 =	sld [smem:$0x0];
	_ =	sdelay $0x2  }
0xbf: {  	s31 =	sshll.u32 s1, $0xD;
	s1 =	sshrl.u32 s1, $0x2  }
0xc0: {  	s3 =	sand.u32 $0x4000, s31;
	s1 =	sadd.s32 s1, s30  }
0xc1: {  	s0 =	sor.u32 s3, s0;
	s1 =	sshll.u32 s1, $0x11  }
0xc2: {  	s0 =	sor.u32 s1, s0  }
0xc3: {  	s0 =	sadd.s32 $0x8F2B, s0  }
0xc4: {  	[sflag:s0] =	ssyncadd.remote.s32 $0x1  }
0xc5: {  	_ =	sfence.sel $0xFFFF  }
0xc6: {  	[dreg:$0x0] =	wrdreg $0xFFFFFFFF;
	(pc) =	sbr.abs _section_cstart, $3  }
0xc7: {  	[dreg:$0x1] =	wrdreg $0xFFFFFFFF  }
0xc8: {  	_ =	task.clear_ibuf [dreg:s11], $0x2FFFF;
	_ =	strace $0x9FFFFFFF  }
0xc9: {  	(tm) =	ssettm $0x7FFFFFFF  }
tec
execute0_lowered:
.L_overlay_start_1:
0x0: {  	(tag) =	ssettag $0x1  }
0x1: {  	s3 =	rddreg [dreg:$0x0]  }
0x2: {  	s1 =	srdreg.scid;
	s0 =	stileid.u32  }
0x3: {  	s6 =	rddreg [dreg:$0x1];
	s12 =	sand.u32 $0x1, s1;
	s24 =	sshll.u32 s0, $0x1  }
0x4: {  	s8 =	rddreg [dreg:$0x2];
	s2 =	sor.u32 s12, s24  }
0x5: {  	s10 =	rddreg [dreg:$0x3];
	s4 =	smul.u32 $0xC350, s2  }
0x6: {  	s9 =	rddreg [dreg:$0x4];
	s5 =	simm.s32 $0x0;
	s7 =	smul.u32 $0x7EF4, s2  }
0x7: {  	[smem:$0x7FF] =	sst s5;
	s25 =	smul.u32 $0xC5C1, s2  }
0x8: {  	s1 =	rddreg [dreg:$0x5];
	_ =	strace $0x80000047;
	s11 =	smul.u32 $0x1388, s2  }
0x9: {  	s28 =	sshll.u32 s0, $0x6;
	s7 =	sand.u32 $0xFFFF0, s7;
	s26 =	sand.u32 $0x1FFFF0, s25  }
0xa: {  	s2 =	sadd.s32 s9, s11;
	s14 =	sshrl.u32 s4, $0x3;
	s3 =	sadd.s32 s3, s11  }
0xb: {  	s4 =	sor.u32 $0x1C01, s28;
	s7 =	smin.u32 s7, $0xF5F80;
	s13 =	smin.u32 s26, $0x17F250  }
0xc: {  	[hbm:s2], [sflag:s4] =	dma.local [hbm:s3], $0x1388  }
0xd: {  	s29 =	sadd.s32 s9, s14;
	s6 =	sadd.s32 s6, s14;
	s30 =	sshrl.u32 s7, $0x3  }
0xe: {  	s5 =	sadd.s32 $0x27100, s29;
	s13 =	sshrl.u32 s13, $0x3;
	s7 =	sadd.s32 s9, s30  }
0xf: {  	s8 =	sadd.s32 s8, s30;
	s9 =	sadd.s32 s9, s13;
	s11 =	sadd.s32 s10, s13  }
0x10: {  	[hbm:s5], [sflag:s4] =	dma.local [hbm:s6], $0x186A  }
0x11: {  	s10 =	simm.s32 $0x1;
	s7 =	sadd.s32 $0x57E40, s7;
	s9 =	sadd.s32 $0x77A10, s9  }
0x12: {  	[hbm:s7], [sflag:s4] =	dma.local [hbm:s8], $0xFE0  }
0x13: {  	[hbm:s9], [sflag:s4] =	dma.local [hbm:s11], $0x18BA  }
0x14: {  	_ =	swait.ge [sflag:s10], $0x1388  }
0x15: {  	s12 =	ssub.s32 $0x2, s12;
	[sflag:s10] =	ssyncset.done $0x0  }
0x16: {  	s31 =	sshrl.u32 s12, $0x1;
	[sflag:s10] =	ssyncadd.s32 $0xFFFFEC78  }
0x17: {  	s12 =	ssub.s32 s12, s31;
	_ =	swait.ge [sflag:s10], $0x186A  }
0x18: {  	s12 =	smax.u32 s12, $0x1;
	[sflag:s10] =	ssyncset.done $0x0  }
0x19: {  	p0 =	sne.s32 s12, $0x1;
	[sflag:s10] =	ssyncadd.s32 $0xFFFFE796  }
.Ltmp0:
0x1a: {  	_ =	swait.ge [sflag:s10], $0xFE0;
	(pc) =	sbr.rel @!p0 .LBB2_2-.Ltmp0, $4  }
0x1b: {  	[sflag:s10] =	ssyncset.done $0x0  }
0x1c: {  	[sflag:s10] =	ssyncadd.s32 $0xFFFFF020  }
0x1d: {  	_ =	swait.ge [sflag:s10], $0x18BA  }
0x1e: {  	s12 =	sadd.s32 $0xFFFFFFFF, s12;
	[sflag:s10] =	ssyncset.done $0x0  }
.LBB2_1:
0x1f: {  	p0 =	sne.s32 s12, $0x1;
	s12 =	sadd.s32 $0xFFFFFFFF, s12;
	[sflag:s10] =	ssyncadd.s32 $0xFFFFE746  }
0x20: {  	[hbm:s2], [sflag:s4] =	dma.local [hbm:s3], $0x1388  }
0x21: {  	[hbm:s5], [sflag:s4] =	dma.local [hbm:s6], $0x186A  }
0x22: {  	[hbm:s7], [sflag:s4] =	dma.local [hbm:s8], $0xFE0  }
0x23: {  	[hbm:s9], [sflag:s4] =	dma.local [hbm:s11], $0x18BA  }
0x24: {  	_ =	swait.ge [sflag:s10], $0x1388  }
0x25: {  	[sflag:s10] =	ssyncset.done $0x0  }
0x26: {  	[sflag:s10] =	ssyncadd.s32 $0xFFFFEC78  }
0x27: {  	_ =	swait.ge [sflag:s10], $0x186A  }
0x28: {  	[sflag:s10] =	ssyncset.done $0x0  }
0x29: {  	[sflag:s10] =	ssyncadd.s32 $0xFFFFE796  }
.Ltmp1:
0x2a: {  	_ =	swait.ge [sflag:s10], $0xFE0;
	(pc) =	sbr.rel @p0 .LBB2_1-.Ltmp1, $4  }
0x2b: {  	[sflag:s10] =	ssyncset.done $0x0  }
0x2c: {  	[sflag:s10] =	ssyncadd.s32 $0xFFFFF020  }
0x2d: {  	_ =	swait.ge [sflag:s10], $0x18BA  }
0x2e: {  	[sflag:s10] =	ssyncset.done $0x0  }
.LBB2_2:
0x2f: {  	[sflag:s10] =	ssyncadd.s32 $0xFFFFE746  }
0x30: {  	_ =	sfence.sel $0x180000  }
0x31: {  	[bflag:$0x0] =	sbarrier.arrive $0xFFFF  }
0x32: {  	p0 =	sne.s32 s0, $0x0;
	_ =	strace $0x90000047  }
0x33: {  	s0 =	sadd.s32 @!p0 $0x100000, s1;
	[bflag:$0x2] =	sbarrier.arrive $0xFFFF  }
0x34: {  	[sflag:s0] =	ssyncadd.tile.s32 @!p0 $0x1;
	_ =	shalt  }
.Lfunc_end2:
_tile_overlayer_lowered:
.L_overlay_start_2:
0x35: {  	(tag) =	ssettag $0x2  }
0x36: {  	s0 =	rddreg [dreg:$0x0];
	s2 =	stileid.u32  }
0x37: {  	s1 =	rddreg [dreg:$0x1];
	p0 =	sne.s32 s2, $0x0  }
0x38: {  	s3 =	rddreg [dreg:$0x2];
	[bflag:$0x3] =	sbarrier.arrive $0xFFFF;
	s2 =	simm.s32 @!p0 $0x1C02  }
0x39: {  	[timem:s3], [sflag:s2] =	dma.local @!p0 [hbm:s0], s1  }
0x3a: {  	s0 =	simm.s32 @!p0 $0x2  }
0x3b: {  	_ =	swait.ge @!p0 [sflag:s0], s1  }
0x3c: {  	s1 =	ssub.s32 @!p0 $0x0, s1;
	[sflag:s0] =	ssyncset.done @!p0 $0x0  }
0x3d: {  	[sflag:s0] =	ssyncadd.s32 @!p0 s1  }
0x3e: {  	[bflag:$0x3] =	sbarrier.arrive $0xFFFF  }
0x3f: {  	_ =	shalt  }

</sc_bundles>
